<compile_context>
chip_gen: v7x
topology: tpu7x:2x2x1
jax: 0.10.2.dev20260603
libtpu: 0.0.44.dev20260713+nightly
codegen_flags: <defaults>
</compile_context>

<pallas_src>
import functools

import jax
import jax.numpy as jnp
from jax import lax
from jax.experimental import pallas as pl
from jax.experimental.pallas import tpu as pltpu
from jax.experimental.pallas import tpu_sc as plsc

_LANES = 16


def _sc_scatter_row0(x, idx, val):
    cols = x.shape[1]
    n = idx.shape[0]
    mesh = plsc.VectorSubcoreMesh(core_axis_name="c", subcore_axis_name="s")

    @functools.partial(
        pl.kernel,
        out_type=jax.ShapeDtypeStruct((cols,), x.dtype),
        mesh=mesh,
        scratch_types=[
            pltpu.VMEM((cols,), x.dtype),
            pltpu.VMEM((n,), jnp.int32),
            pltpu.VMEM((n,), x.dtype),
            pltpu.SemaphoreType.DMA,
        ],
        compiler_params=pltpu.CompilerParams(needs_layout_passes=False),
    )
    def k(x_hbm, idx_hbm, val_hbm, o_hbm, row_v, idx_v, val_v, sem):
        @pl.when((lax.axis_index("c") == 0) & (lax.axis_index("s") == 0))
        def _():
            pltpu.async_copy(x_hbm.at[0], row_v, sem).wait()
            pltpu.sync_copy(idx_hbm, idx_v)
            pltpu.sync_copy(val_hbm, val_v)
            for j in range(n // _LANES):
                iv = idx_v[pl.ds(j * _LANES, _LANES)]
                vv = val_v[pl.ds(j * _LANES, _LANES)]
                plsc.store_scatter(row_v, [iv], vv)
            pltpu.sync_copy(row_v, o_hbm)

    return k(x, idx, val)


def _tc_splice_row0(x, row0):
    rows, cols = x.shape
    slab = jax.lax.slice(x, (0, 0), (8, cols))

    def body(x_ref, slab_ref, r0_ref, o_ref):
        del x_ref
        o_ref[...] = slab_ref[...]
        o_ref[0:1, :] = r0_ref[...]

    return pl.pallas_call(
        body,
        grid=(1,),
        in_specs=[
            pl.BlockSpec(memory_space=pltpu.MemorySpace.HBM),
            pl.BlockSpec((8, cols), lambda i: (0, 0)),
            pl.BlockSpec((1, cols), lambda i: (0, 0)),
        ],
        out_specs=pl.BlockSpec((8, cols), lambda i: (0, 0)),
        out_shape=jax.ShapeDtypeStruct((rows, cols), x.dtype),
        input_output_aliases={0: 0},
    )(x, slab, row0.reshape(1, cols))


def kernel(x, changed_genes, change_values):
    idx = changed_genes.astype(jnp.int32)
    n = idx.shape[0]
    pad = (-n) % _LANES
    if pad:
        idx = jnp.concatenate([idx, jnp.broadcast_to(idx[-1:], (pad,))])
        change_values = jnp.concatenate(
            [change_values, jnp.broadcast_to(change_values[-1:], (pad,))]
        )
    row0 = _sc_scatter_row0(x, idx, change_values)
    return _tc_splice_row0(x, row0)

# --- scband reference (transcript-rebuilt; emitter-appended) ---
"""Pipeline reference for scband-base-simulator-3994319586020 (READ-ONLY COPY).

The authoritative reference and input builder live on the scoring server;
editing this copy changes nothing except your own understanding.
"""

import jax, jax.numpy as jnp
import numpy as np


def setup_inputs(seed: int = 0) -> dict:
    key = jax.random.key(seed)
    k1, k2, k3 = jax.random.split(key, 3)
    x = jax.random.normal(k1, (1024, 20000), dtype=jnp.float32)
    changed_genes = jax.random.randint(k2, (256,), 0, 20000, dtype=jnp.int64 if jax.config.jax_enable_x64 else jnp.int32)
    change_values = jax.random.normal(k3, (256,), dtype=jnp.float32)
    return {"x": x, "changed_genes": changed_genes, "change_values": change_values}


def reference(x, changed_genes, change_values):
    # Faithful translation of BaseSimulator.simulate:
    #   x_changed = x.clone(); x_changed[0, changed_genes] = change_values
    #   changed_output = self(x_changed)
    # BaseSimulator defines no forward, so self(...) is taken as identity
    # (the subclass model); the defining op is the scatter-overwrite.
    x_changed = x.at[0, changed_genes].set(change_values)
    changed_output = x_changed  # self(x_changed) with identity base forward
    return changed_output

if __name__ == "__main__":
    import jax
    _d = setup_inputs()
    print(jax.jit(kernel)(*tuple(_d.values())))

</pallas_src>

<mosaic_0001>
#map = affine_map<(d0, d1) -> (0, 0)>
#map1 = affine_map<(d0, d1) -> (0)>
module attributes {stable_mosaic.version = 14 : i64} {
  func.func @k(%arg0: i32, %arg1: i32, %arg2: memref<1024x20000xf32, #tpu.memory_space<hbm>>, %arg3: memref<256xi32, #tpu.memory_space<hbm>>, %arg4: memref<256xf32, #tpu.memory_space<hbm>>, %arg5: memref<20000xf32, #tpu.memory_space<hbm>>, %arg6: memref<20000xf32, #tpu.memory_space<vmem>>, %arg7: memref<256xi32, #tpu.memory_space<vmem>>, %arg8: memref<256xf32, #tpu.memory_space<vmem>>, %arg9: memref<!tpu.dma_semaphore, #tpu.memory_space<semaphore_mem>>) attributes {dimension_semantics = [#tpu.dimension_semantics<core_parallel>, #tpu.dimension_semantics<subcore_parallel>], iteration_bounds = array<i64: 2, 16>, scalar_prefetch = 0 : i64, scratch_operands = 4 : i64, tpu.core_type = #tpu.core_type<sc_vector_subcore>, window_params = [{transform_indices = #map}, {transform_indices = #map1}, {transform_indices = #map1}, {transform_indices = #map1}]} {
    %eq3A = arith.constant 0 : i32
    %eq3A_0 = arith.cmpi eq, %arg0, %eq3A : i32
    %eq3A_1 = arith.constant 0 : i32
    %eq3A_2 = arith.cmpi eq, %arg1, %eq3A_1 : i32
    %and3A = arith.andi %eq3A_0, %eq3A_2 : i1
    %convert_element_type3A = arith.extui %and3A : i1 to i32
    %cond3A = arith.constant 0 : i32
    %cond3A_3 = arith.cmpi ne, %convert_element_type3A, %cond3A : i32
    scf.if %cond3A_3 {
      %dma_start3A = arith.constant 0 : i32
      %dma_start3A_4 = arith.constant 0 : i32
      %dma_start3A_5 = tpu.memref_slice %arg2[%dma_start3A, %dma_start3A_4] : memref<1024x20000xf32, #tpu.memory_space<hbm>> -> memref<1x20000xf32, #tpu.memory_space<hbm>>
      %dma_start3A_6 = tpu.memref_squeeze %dma_start3A_5 : memref<1x20000xf32, #tpu.memory_space<hbm>> -> memref<20000xf32, #tpu.memory_space<hbm>>
      %dma_start3A_7 = arith.constant 0 : i32
      %dma_start3A_8 = tpu.memref_slice %arg2[%dma_start3A, %dma_start3A_7] : memref<1024x20000xf32, #tpu.memory_space<hbm>> -> memref<1x20000xf32, #tpu.memory_space<hbm>>
      %dma_start3A_9 = tpu.memref_squeeze %dma_start3A_8 : memref<1x20000xf32, #tpu.memory_space<hbm>> -> memref<20000xf32, #tpu.memory_space<hbm>>
      tpu.enqueue_dma source(%dma_start3A_9 : memref<20000xf32, #tpu.memory_space<hbm>>) target(%arg6 : memref<20000xf32, #tpu.memory_space<vmem>>) target_semaphore(%arg9 : memref<!tpu.dma_semaphore, #tpu.memory_space<semaphore_mem>>)
      %dma_wait3A = arith.constant 0 : i32
      %dma_wait3A_10 = arith.constant 0 : i32
      %dma_wait3A_11 = tpu.memref_slice %arg2[%dma_wait3A, %dma_wait3A_10] : memref<1024x20000xf32, #tpu.memory_space<hbm>> -> memref<1x20000xf32, #tpu.memory_space<hbm>>
      %dma_wait3A_12 = tpu.memref_squeeze %dma_wait3A_11 : memref<1x20000xf32, #tpu.memory_space<hbm>> -> memref<20000xf32, #tpu.memory_space<hbm>>
      %dma_wait3A_13 = arith.constant 0 : i32
      %dma_wait3A_14 = tpu.memref_slice %arg2[%dma_wait3A, %dma_wait3A_13] : memref<1024x20000xf32, #tpu.memory_space<hbm>> -> memref<1x20000xf32, #tpu.memory_space<hbm>>
      %dma_wait3A_15 = tpu.memref_squeeze %dma_wait3A_14 : memref<1x20000xf32, #tpu.memory_space<hbm>> -> memref<20000xf32, #tpu.memory_space<hbm>>
      tpu.wait_dma2 semaphore(%arg9 : memref<!tpu.dma_semaphore, #tpu.memory_space<semaphore_mem>>) src(%dma_wait3A_15 : memref<20000xf32, #tpu.memory_space<hbm>>) dst(%arg6 : memref<20000xf32, #tpu.memory_space<vmem>>)
      "tpu.region"() ({
        %run_scoped3A = tpu.sem_alloc : memref<!tpu.dma_semaphore, #tpu.memory_space<semaphore_mem>>
        tpu.enqueue_dma source(%arg3 : memref<256xi32, #tpu.memory_space<hbm>>) target(%arg7 : memref<256xi32, #tpu.memory_space<vmem>>) target_semaphore(%run_scoped3A : memref<!tpu.dma_semaphore, #tpu.memory_space<semaphore_mem>>)
        tpu.wait_dma2 semaphore(%run_scoped3A : memref<!tpu.dma_semaphore, #tpu.memory_space<semaphore_mem>>) src(%arg3 : memref<256xi32, #tpu.memory_space<hbm>>) dst(%arg7 : memref<256xi32, #tpu.memory_space<vmem>>)
        tpu.yield
      }) : () -> ()
      "tpu.region"() ({
        %run_scoped3A = tpu.sem_alloc : memref<!tpu.dma_semaphore, #tpu.memory_space<semaphore_mem>>
        tpu.enqueue_dma source(%arg4 : memref<256xf32, #tpu.memory_space<hbm>>) target(%arg8 : memref<256xf32, #tpu.memory_space<vmem>>) target_semaphore(%run_scoped3A : memref<!tpu.dma_semaphore, #tpu.memory_space<semaphore_mem>>)
        tpu.wait_dma2 semaphore(%run_scoped3A : memref<!tpu.dma_semaphore, #tpu.memory_space<semaphore_mem>>) src(%arg4 : memref<256xf32, #tpu.memory_space<hbm>>) dst(%arg8 : memref<256xf32, #tpu.memory_space<vmem>>)
        tpu.yield
      }) : () -> ()
      %get3A = arith.constant 0 : index
      %get3A_16 = tpu.vector_load %arg7[%get3A] {strides = array<i32>} : memref<256xi32, #tpu.memory_space<vmem>>, vector<16xi32>,
      %get3A_17 = arith.constant 0 : index
      %get3A_18 = tpu.vector_load %arg8[%get3A_17] {strides = array<i32>} : memref<256xf32, #tpu.memory_space<vmem>>, vector<16xf32>,
      tpu.vector_store_idx %arg6[%get3A_16], %get3A_18 : memref<20000xf32, #tpu.memory_space<vmem>>[vector<16xi32>], vector<16xf32>,
      %get3A_19 = arith.constant 16 : index
      %get3A_20 = tpu.vector_load %arg7[%get3A_19] {strides = array<i32>} : memref<256xi32, #tpu.memory_space<vmem>>, vector<16xi32>,
      %get3A_21 = arith.constant 16 : index
      %get3A_22 = tpu.vector_load %arg8[%get3A_21] {strides = array<i32>} : memref<256xf32, #tpu.memory_space<vmem>>, vector<16xf32>,
      tpu.vector_store_idx %arg6[%get3A_20], %get3A_22 : memref<20000xf32, #tpu.memory_space<vmem>>[vector<16xi32>], vector<16xf32>,
      %get3A_23 = arith.constant 32 : index
      %get3A_24 = tpu.vector_load %arg7[%get3A_23] {strides = array<i32>} : memref<256xi32, #tpu.memory_space<vmem>>, vector<16xi32>,
      %get3A_25 = arith.constant 32 : index
      %get3A_26 = tpu.vector_load %arg8[%get3A_25] {strides = array<i32>} : memref<256xf32, #tpu.memory_space<vmem>>, vector<16xf32>,
      tpu.vector_store_idx %arg6[%get3A_24], %get3A_26 : memref<20000xf32, #tpu.memory_space<vmem>>[vector<16xi32>], vector<16xf32>,
      %get3A_27 = arith.constant 48 : index
      %get3A_28 = tpu.vector_load %arg7[%get3A_27] {strides = array<i32>} : memref<256xi32, #tpu.memory_space<vmem>>, vector<16xi32>,
      %get3A_29 = arith.constant 48 : index
      %get3A_30 = tpu.vector_load %arg8[%get3A_29] {strides = array<i32>} : memref<256xf32, #tpu.memory_space<vmem>>, vector<16xf32>,
      tpu.vector_store_idx %arg6[%get3A_28], %get3A_30 : memref<20000xf32, #tpu.memory_space<vmem>>[vector<16xi32>], vector<16xf32>,
      %get3A_31 = arith.constant 64 : index
      %get3A_32 = tpu.vector_load %arg7[%get3A_31] {strides = array<i32>} : memref<256xi32, #tpu.memory_space<vmem>>, vector<16xi32>,
      %get3A_33 = arith.constant 64 : index
      %get3A_34 = tpu.vector_load %arg8[%get3A_33] {strides = array<i32>} : memref<256xf32, #tpu.memory_space<vmem>>, vector<16xf32>,
      tpu.vector_store_idx %arg6[%get3A_32], %get3A_34 : memref<20000xf32, #tpu.memory_space<vmem>>[vector<16xi32>], vector<16xf32>,
      %get3A_35 = arith.constant 80 : index
      %get3A_36 = tpu.vector_load %arg7[%get3A_35] {strides = array<i32>} : memref<256xi32, #tpu.memory_space<vmem>>, vector<16xi32>,
      %get3A_37 = arith.constant 80 : index
      %get3A_38 = tpu.vector_load %arg8[%get3A_37] {strides = array<i32>} : memref<256xf32, #tpu.memory_space<vmem>>, vector<16xf32>,
      tpu.vector_store_idx %arg6[%get3A_36], %get3A_38 : memref<20000xf32, #tpu.memory_space<vmem>>[vector<16xi32>], vector<16xf32>,
      %get3A_39 = arith.constant 96 : index
      %get3A_40 = tpu.vector_load %arg7[%get3A_39] {strides = array<i32>} : memref<256xi32, #tpu.memory_space<vmem>>, vector<16xi32>,
      %get3A_41 = arith.constant 96 : index
      %get3A_42 = tpu.vector_load %arg8[%get3A_41] {strides = array<i32>} : memref<256xf32, #tpu.memory_space<vmem>>, vector<16xf32>,
      tpu.vector_store_idx %arg6[%get3A_40], %get3A_42 : memref<20000xf32, #tpu.memory_space<vmem>>[vector<16xi32>], vector<16xf32>,
      %get3A_43 = arith.constant 112 : index
      %get3A_44 = tpu.vector_load %arg7[%get3A_43] {strides = array<i32>} : memref<256xi32, #tpu.memory_space<vmem>>, vector<16xi32>,
      %get3A_45 = arith.constant 112 : index
      %get3A_46 = tpu.vector_load %arg8[%get3A_45] {strides = array<i32>} : memref<256xf32, #tpu.memory_space<vmem>>, vector<16xf32>,
      tpu.vector_store_idx %arg6[%get3A_44], %get3A_46 : memref<20000xf32, #tpu.memory_space<vmem>>[vector<16xi32>], vector<16xf32>,
      %get3A_47 = arith.constant 128 : index
      %get3A_48 = tpu.vector_load %arg7[%get3A_47] {strides = array<i32>} : memref<256xi32, #tpu.memory_space<vmem>>, vector<16xi32>,
      %get3A_49 = arith.constant 128 : index
      %get3A_50 = tpu.vector_load %arg8[%get3A_49] {strides = array<i32>} : memref<256xf32, #tpu.memory_space<vmem>>, vector<16xf32>,
      tpu.vector_store_idx %arg6[%get3A_48], %get3A_50 : memref<20000xf32, #tpu.memory_space<vmem>>[vector<16xi32>], vector<16xf32>,
      %get3A_51 = arith.constant 144 : index
      %get3A_52 = tpu.vector_load %arg7[%get3A_51] {strides = array<i32>} : memref<256xi32, #tpu.memory_space<vmem>>, vector<16xi32>,
      %get3A_53 = arith.constant 144 : index
      %get3A_54 = tpu.vector_load %arg8[%get3A_53] {strides = array<i32>} : memref<256xf32, #tpu.memory_space<vmem>>, vector<16xf32>,
      tpu.vector_store_idx %arg6[%get3A_52], %get3A_54 : memref<20000xf32, #tpu.memory_space<vmem>>[vector<16xi32>], vector<16xf32>,
      %get3A_55 = arith.constant 160 : index
      %get3A_56 = tpu.vector_load %arg7[%get3A_55] {strides = array<i32>} : memref<256xi32, #tpu.memory_space<vmem>>, vector<16xi32>,
      %get3A_57 = arith.constant 160 : index
      %get3A_58 = tpu.vector_load %arg8[%get3A_57] {strides = array<i32>} : memref<256xf32, #tpu.memory_space<vmem>>, vector<16xf32>,
      tpu.vector_store_idx %arg6[%get3A_56], %get3A_58 : memref<20000xf32, #tpu.memory_space<vmem>>[vector<16xi32>], vector<16xf32>,
      %get3A_59 = arith.constant 176 : index
      %get3A_60 = tpu.vector_load %arg7[%get3A_59] {strides = array<i32>} : memref<256xi32, #tpu.memory_space<vmem>>, vector<16xi32>,
      %get3A_61 = arith.constant 176 : index
      %get3A_62 = tpu.vector_load %arg8[%get3A_61] {strides = array<i32>} : memref<256xf32, #tpu.memory_space<vmem>>, vector<16xf32>,
      tpu.vector_store_idx %arg6[%get3A_60], %get3A_62 : memref<20000xf32, #tpu.memory_space<vmem>>[vector<16xi32>], vector<16xf32>,
      %get3A_63 = arith.constant 192 : index
      %get3A_64 = tpu.vector_load %arg7[%get3A_63] {strides = array<i32>} : memref<256xi32, #tpu.memory_space<vmem>>, vector<16xi32>,
      %get3A_65 = arith.constant 192 : index
      %get3A_66 = tpu.vector_load %arg8[%get3A_65] {strides = array<i32>} : memref<256xf32, #tpu.memory_space<vmem>>, vector<16xf32>,
      tpu.vector_store_idx %arg6[%get3A_64], %get3A_66 : memref<20000xf32, #tpu.memory_space<vmem>>[vector<16xi32>], vector<16xf32>,
      %get3A_67 = arith.constant 208 : index
      %get3A_68 = tpu.vector_load %arg7[%get3A_67] {strides = array<i32>} : memref<256xi32, #tpu.memory_space<vmem>>, vector<16xi32>,
      %get3A_69 = arith.constant 208 : index
      %get3A_70 = tpu.vector_load %arg8[%get3A_69] {strides = array<i32>} : memref<256xf32, #tpu.memory_space<vmem>>, vector<16xf32>,
      tpu.vector_store_idx %arg6[%get3A_68], %get3A_70 : memref<20000xf32, #tpu.memory_space<vmem>>[vector<16xi32>], vector<16xf32>,
      %get3A_71 = arith.constant 224 : index
      %get3A_72 = tpu.vector_load %arg7[%get3A_71] {strides = array<i32>} : memref<256xi32, #tpu.memory_space<vmem>>, vector<16xi32>,
      %get3A_73 = arith.constant 224 : index
      %get3A_74 = tpu.vector_load %arg8[%get3A_73] {strides = array<i32>} : memref<256xf32, #tpu.memory_space<vmem>>, vector<16xf32>,
      tpu.vector_store_idx %arg6[%get3A_72], %get3A_74 : memref<20000xf32, #tpu.memory_space<vmem>>[vector<16xi32>], vector<16xf32>,
      %get3A_75 = arith.constant 240 : index
      %get3A_76 = tpu.vector_load %arg7[%get3A_75] {strides = array<i32>} : memref<256xi32, #tpu.memory_space<vmem>>, vector<16xi32>,
      %get3A_77 = arith.constant 240 : index
      %get3A_78 = tpu.vector_load %arg8[%get3A_77] {strides = array<i32>} : memref<256xf32, #tpu.memory_space<vmem>>, vector<16xf32>,
      tpu.vector_store_idx %arg6[%get3A_76], %get3A_78 : memref<20000xf32, #tpu.memory_space<vmem>>[vector<16xi32>], vector<16xf32>,
      "tpu.region"() ({
        %run_scoped3A = tpu.sem_alloc : memref<!tpu.dma_semaphore, #tpu.memory_space<semaphore_mem>>
        tpu.enqueue_dma source(%arg6 : memref<20000xf32, #tpu.memory_space<vmem>>) target(%arg5 : memref<20000xf32, #tpu.memory_space<hbm>>) target_semaphore(%run_scoped3A : memref<!tpu.dma_semaphore, #tpu.memory_space<semaphore_mem>>)
        tpu.wait_dma2 semaphore(%run_scoped3A : memref<!tpu.dma_semaphore, #tpu.memory_space<semaphore_mem>>) src(%arg6 : memref<20000xf32, #tpu.memory_space<vmem>>) dst(%arg5 : memref<20000xf32, #tpu.memory_space<hbm>>)
        tpu.yield
      }) : () -> ()
    } else {
    }
    return
  }
}

module attributes {stable_mosaic.version = 14 : i64} {
  func.func @body(%arg0: i32, %arg1: memref<1024x20000xf32, #tpu.memory_space<hbm>>, %arg2: memref<8x20000xf32, #tpu.memory_space<vmem>>, %arg3: memref<1x20000xf32, #tpu.memory_space<vmem>>, %arg4: memref<8x20000xf32, #tpu.memory_space<vmem>>) attributes {dimension_semantics = [#tpu.dimension_semantics<arbitrary>], iteration_bounds = array<i64: 1>, scalar_prefetch = 0 : i64, scratch_operands = 0 : i64, tpu.core_type = #tpu.core_type<tc>, window_params = [{}, {pipeline_mode = #tpu.pipeline_mode<synchronous>, transform_indices = @transform_1, window_bounds = array<i64: 8, 20000>}, {pipeline_mode = #tpu.pipeline_mode<synchronous>, transform_indices = @transform_2, window_bounds = array<i64: 1, 20000>}, {transform_indices = @transform_3, window_bounds = array<i64: 8, 20000>}]} {
    %get3A = arith.constant 0 : index
    %get3A_0 = arith.constant 0 : index
    %get3A_1 = vector.load %arg2[%get3A, %get3A_0] : memref<8x20000xf32, #tpu.memory_space<vmem>>, vector<8x20000xf32>
    %swap3A = arith.constant 0 : index
    %swap3A_2 = arith.constant 0 : index
    %swap3A_3 = vector.load %arg4[%swap3A, %swap3A_2] : memref<8x20000xf32, #tpu.memory_space<vmem>>, vector<8x20000xf32>
    tpu.vector_store %arg4[%swap3A, %swap3A_2], %get3A_1 {strides = array<i32>} : memref<8x20000xf32, #tpu.memory_space<vmem>>, vector<8x20000xf32>,
    %get3A_4 = arith.constant 0 : index
    %get3A_5 = arith.constant 0 : index
    %get3A_6 = vector.load %arg3[%get3A_4, %get3A_5] : memref<1x20000xf32, #tpu.memory_space<vmem>>, vector<1x20000xf32>
    %swap3A_7 = arith.constant 0 : index
    %swap3A_8 = arith.constant 0 : index
    %swap3A_9 = vector.load %arg4[%swap3A_7, %swap3A_8] : memref<8x20000xf32, #tpu.memory_space<vmem>>, vector<1x20000xf32>
    tpu.vector_store %arg4[%swap3A_7, %swap3A_8], %get3A_6 {strides = array<i32>} : memref<8x20000xf32, #tpu.memory_space<vmem>>, vector<1x20000xf32>,
    return
  }
  func.func @transform_1(%arg0: i32) -> (i32, i32) {
    %c0_i32 = arith.constant 0 : i32
    %c0_i32_0 = arith.constant 0 : i32
    %c0_i32_1 = arith.constant 0 : i32
    return %c0_i32, %c0_i32_0 : i32, i32
  }
  func.func @transform_2(%arg0: i32) -> (i32, i32) {
    %c0_i32 = arith.constant 0 : i32
    %c0_i32_0 = arith.constant 0 : i32
    %c0_i32_1 = arith.constant 0 : i32
    return %c0_i32, %c0_i32_0 : i32, i32
  }
  func.func @transform_3(%arg0: i32) -> (i32, i32) {
    %c0_i32 = arith.constant 0 : i32
    %c0_i32_0 = arith.constant 0 : i32
    %c0_i32_1 = arith.constant 0 : i32
    return %c0_i32, %c0_i32_0 : i32, i32
  }
}

</mosaic_0001>

<sc_bundles>
// kernel: kernel.4.cloned.1.call-start
scs
__scs_entry_jumppad:
0x0: {  	(pc) =	sbr.rel $0x88, $3  }
0x1: {  	(tag) =	ssettag $0x0;
	lr =	simm.s32 $0x1  }
0x2: {  	[smem:$0x3F9E] =	sst lr;
	_ =	strace $0xD0000000  }
0x3: {  	_ = 	snop  }
0x4: {  	_ = 	snop  }
0x5: {  	_ = 	snop  }
0x6: {  	_ = 	snop  }
0x7: {  	_ = 	snop  }
__scs_overlays_trampoline_lowered:
0x8: {  	[smem:$0x3FAD] =	sst s0  }
0x9: {  	[smem:$0x3FAE] =	sst s1  }
0xa: {  	[smem:$0x3FAF] =	sst s2  }
0xb: {  	[smem:$0x3FB0] =	sst s3  }
0xc: {  	[smem:$0x3FB1] =	sst s4  }
0xd: {  	[smem:$0x3FB2] =	sst s5  }
0xe: {  	[smem:$0x3FB3] =	sst s6  }
0xf: {  	[smem:$0x3FB4] =	sst s7  }
0x10: {  	[smem:$0x3FB5] =	sst s8  }
0x11: {  	[smem:$0x3FB6] =	sst s9;
	s0 =	simm.s32 @!p0 $0x0  }
0x12: {  	s1 =	sld [smem:$0x3F9C];
	s0 =	simm.s32 @p0 $0x1  }
0x13: {  	[smem:$0x3FB7] =	sst s0;
	s0 =	simm.s32 @!p1 $0x0  }
0x14: {  	s2 =	sld [smem:$0x3F9B];
	s0 =	simm.s32 @p1 $0x1  }
0x15: {  	[smem:$0x3FB8] =	sst s0;
	s0 =	simm.s32 @!p2 $0x0  }
0x16: {  	s3 =	sld [smem:$0x3FDB];
	s0 =	simm.s32 @p2 $0x1  }
0x17: {  	s4 =	simm.s32 $0x1BF5;
	[smem:$0x3FBA] =	sst s0  }
0x18: {  	s0 =	sld [smem:$0x3F9D];
	_ =	swait.ge [sflag:s4], $0x0  }
0x19: {  	s7 =	sld [smem:$0x3F9E]  }
0x1a: {  	s8 =	sadd.s32 $0xFFFFE003, lr  }
0x1b: {  	s9 =	sadd.s32 $0xFFFFFEF7, lr;
	s5 =	simm.s32 $0xFFFFFFFF;
	p2 =	slt.u32 s8, $0xFFFFF086  }
0x1c: {  	p1 =	slt.u32 s9, $0xF7A;
	s5 =	simm.s32 @!p2 $0x0  }
0x1d: {  	s5 =	simm.s32 @p1 $0x1;
	p0 =	seq.s32 s7, s2  }
0x1e: {  	s7 =	smul.u32 @!p0 $0xF7A, s2;
	p2 =	seq.s32 @!p0 s5, $0x0  }
0x1f: {  	s9 =	smul.u32 $0xF7A, s1;
	s8 =	simm.s32 @!p0 $0x1BF5;
	p2 =	por !p2, p0  }
0x20: {  	[sflag:s8] =	ssyncset.s32 @!p0 $0xFFFFF086;
	s6 =	sadd.s32 @!p0 s3, s7;
	s7 =	simm.s32 @!p0 $0x108  }
0x21: {  	s3 =	sadd.s32 s3, s9;
	s6 =	sadd.s32 @!p0 $0x88, s6;
	s7 =	simm.s32 @p2 $0x1082  }
0x22: {  	[simem:s7], [sflag:s8] =	dma.local @!p0 [hbm:s6], $0xF7A  }
0x23: {  	s9 =	sor.u32 $0xD0000000, s2;
	s6 =	simm.s32 $0x108;
	_ =	swait.ge @!p0 [sflag:s8], $0x0  }
0x24: {  	s3 =	sadd.s32 $0x88, s3;
	s6 =	simm.s32 @!p1 $0x1082;
	[sflag:s4] =	ssyncset.s32 $0xFFFFF086  }
0x25: {  	[simem:s6], [sflag:s4] =	dma.local [hbm:s3], $0xF7A  }
0x26: {  	[smem:$0x3F9E] =	sst s1;
	(tag) =	ssettag s2;
	_ =	strace s9  }
0x27: {  	s1 =	sld [smem:$0x3FAE]  }
0x28: {  	s2 =	sld [smem:$0x3FAF]  }
0x29: {  	s4 =	sld [smem:$0x3FB1]  }
0x2a: {  	p0 =	seq.s32 s5, $0x0;
	s5 =	sld [smem:$0x3FB2]  }
0x2b: {  	s6 =	sld [smem:$0x3FB3]  }
0x2c: {  	s7 =	sld [smem:$0x3FB4]  }
0x2d: {  	s3 =	simm.s32 $0x108;
	s8 =	sld [smem:$0x3FB5]  }
0x2e: {  	s3 =	simm.s32 @!p0 $0x1082;
	s9 =	sld [smem:$0x3FB6]  }
0x2f: {  	lr =	sadd.s32 s0, s3;
	s0 =	sld [smem:$0x3FAD]  }
0x30: {  	s3 =	sld [smem:$0x3FB0]  }
0x31: {  	[smem:$0x3FB9] =	sst s10  }
0x32: {  	s10 =	sld [smem:$0x3FB7];
	_ =	sdelay $0x3  }
0x33: {  	p0 =	seq.s32 s10, $0x1;
	s10 =	sld [smem:$0x3FB9];
	_ =	sdelay $0x3  }
0x34: {  	[smem:$0x3FB9] =	sst s10  }
0x35: {  	s10 =	sld [smem:$0x3FB8];
	_ =	sdelay $0x3  }
0x36: {  	p1 =	seq.s32 s10, $0x1;
	s10 =	sld [smem:$0x3FB9];
	_ =	sdelay $0x3  }
0x37: {  	[smem:$0x3FB9] =	sst s10  }
0x38: {  	s10 =	sld [smem:$0x3FBA]  }
0x39: {  	_ = 	snop;
	(pc) =	sbr.ind lr, $3  }
0x3a: {  	_ = 	snop  }
0x3b: {  	_ = 	snop  }
0x3c: {  	p2 =	seq.s32 s10, $0x1;
	s10 =	sld [smem:$0x3FB9]  }
0x3d: {  	_ =	shalt  }
0x3e: {  	_ =	shalt  }
0x3f: {  	_ =	shalt  }
0x40: {  	_ =	shalt  }
0x41: {  	_ =	shalt  }
0x42: {  	_ =	shalt  }
0x43: {  	_ =	shalt  }
0x44: {  	_ =	shalt  }
0x45: {  	_ =	shalt  }
0x46: {  	_ =	shalt  }
0x47: {  	_ =	shalt  }
0x48: {  	_ =	shalt  }
0x49: {  	_ =	shalt  }
0x4a: {  	_ =	shalt  }
0x4b: {  	_ =	shalt  }
0x4c: {  	_ =	shalt  }
0x4d: {  	_ =	shalt  }
0x4e: {  	_ =	shalt  }
0x4f: {  	_ =	shalt  }
0x50: {  	_ =	shalt  }
0x51: {  	_ =	shalt  }
0x52: {  	_ =	shalt  }
0x53: {  	_ =	shalt  }
0x54: {  	_ =	shalt  }
0x55: {  	_ =	shalt  }
0x56: {  	_ =	shalt  }
0x57: {  	_ =	shalt  }
0x58: {  	_ =	shalt  }
0x59: {  	_ =	shalt  }
0x5a: {  	_ =	shalt  }
0x5b: {  	_ =	shalt  }
0x5c: {  	_ =	shalt  }
0x5d: {  	_ =	shalt  }
0x5e: {  	_ =	shalt  }
0x5f: {  	_ =	shalt  }
0x60: {  	_ =	shalt  }
0x61: {  	_ =	shalt  }
0x62: {  	_ =	shalt  }
0x63: {  	_ =	shalt  }
0x64: {  	_ =	shalt  }
0x65: {  	_ =	shalt  }
0x66: {  	_ =	shalt  }
0x67: {  	_ =	shalt  }
0x68: {  	_ =	shalt  }
0x69: {  	_ =	shalt  }
0x6a: {  	_ =	shalt  }
0x6b: {  	_ =	shalt  }
0x6c: {  	_ =	shalt  }
0x6d: {  	_ =	shalt  }
0x6e: {  	_ =	shalt  }
0x6f: {  	_ =	shalt  }
0x70: {  	_ =	shalt  }
0x71: {  	_ =	shalt  }
0x72: {  	_ =	shalt  }
0x73: {  	_ =	shalt  }
0x74: {  	_ =	shalt  }
0x75: {  	_ =	shalt  }
0x76: {  	_ =	shalt  }
0x77: {  	_ =	shalt  }
0x78: {  	_ =	shalt  }
0x79: {  	_ =	shalt  }
0x7a: {  	_ =	shalt  }
0x7b: {  	_ =	shalt  }
0x7c: {  	_ =	shalt  }
0x7d: {  	_ =	shalt  }
0x7e: {  	_ =	shalt  }
0x7f: {  	_ =	shalt  }
0x80: {  	_ =	shalt  }
0x81: {  	_ =	shalt  }
0x82: {  	_ =	shalt  }
0x83: {  	_ =	shalt  }
0x84: {  	_ =	shalt  }
0x85: {  	_ =	shalt  }
0x86: {  	_ =	shalt  }
0x87: {  	_ =	shalt  }
.Lfunc_end0:
.L_simem_size_0:
called_computation_lowered:
.L_overlay_start_0:
0x88: {  	s2 =	sld [smem:$0x3FD9]  }
0x89: {  	s3 =	sld [smem:$0x3FFE];
	_ =	sdelay $0x1  }
0x8a: {  	s1 =	srdreg.scid  }
0x8b: {  	s0 =	sand.u32 $0x1, s1  }
0x8c: {  	s17 =	sshll.u32 s0, $0xA;
	s2 =	sadd.s32 s3, s2  }
0x8d: {  	s2 =	sadd.s32 s2, s17  }
0x8e: {  	[smem:$0x3FC5] =	sst s2  }
0x8f: {  	_ = 	snop  }
0x90: {  	s2 =	sld [smem:$0x3FC8]  }
0x91: {  	s18 =	sld [smem:$0x3FC7]  }
0x92: {  	s4 =	sld [smem:$0x3FD0];
	(tm) =	ssettm $0x1  }
0x93: {  	s5 =	sld [smem:$0x3FFB];
	_ =	sdelay $0x3  }
0x94: {  	_ =	strace s5  }
0x95: {  	s5 =	sld [smem:$0x3FFC];
	_ =	sdelay $0x3  }
0x96: {  	_ =	strace s5  }
0x97: {  	s5 =	sld [smem:$0x3FFD];
	_ =	sdelay $0x3  }
0x98: {  	_ =	strace s5  }
0x99: {  	_ =	strace $0x8FFFFFFF  }
0x9a: {  	s19 =	sld [smem:$0x3FDB];
	_ =	sdelay $0x1  }
0x9b: {  	s6 =	simm.s32 $_scs_section_size  }
0x9c: {  	s7 =	simm.s32 $_size__tile_overlayer_lowered;
	s8 =	simm.s32 $_tile_overlayer_lowered  }
0x9d: {  	s22 =	simm.s32 $0x1BFF;
	s21 =	sshll.u32 s8, $0x1;
	s5 =	sadd.s32 s6, s19  }
0x9e: {  	s9 =	simm.s32 $0x0;
	s20 =	sshll.u32 s7, $0x1;
	s7 =	sadd.s32 s21, s5  }
0x9f: {  	[timem:s9], [sflag:s22] =	dma.local [hbm:s7], s20  }
0xa0: {  	_ =	swait.ge [sflag:s22], s20  }
0xa1: {  	s6 =	ssub.s32 $0x0, s20;
	[sflag:s22] =	ssyncset.done $0x0  }
0xa2: {  	[sflag:s22] =	ssyncadd.s32 s6;
	_ =	sdelay $0x1  }
0xa3: {  	s23 =	simm.s32 $0x1B8B  }
0xa4: {  	_ =	swait.ge [sflag:s23], $0x1  }
0xa5: {  	[sflag:s23] =	ssyncset.done $0x0  }
0xa6: {  	s25 =	simm.s32 $0x1B8E;
	s24 =	sld [smem:$0x3FFE];
	[sflag:s23] =	ssyncadd.s32 $0xFFFFFFFF  }
0xa7: {  	s26 =	simm.s32 $execute0_lowered;
	[smem:$0x3FD2] =	sst s25  }
0xa8: {  	s7 =	sshll.u32 s26, $0x1;
	_ =	strace $0x80000046;
	[dreg:$0x1] =	wrdreg $0xFFFFFFFF  }
0xa9: {  	s28 =	simm.s32 $_size_execute0_lowered;
	s5 =	sadd.s32 s5, s7;
	[dreg:$0x0] =	wrdreg $0x0  }
0xaa: {  	s7 =	sshll.u32 s28, $0x1;
	[dreg:$0x2] =	wrdreg s5  }
0xab: {  	[dreg:$0x3] =	wrdreg s7  }
0xac: {  	[dreg:$0x4] =	wrdreg $0xC0  }
0xad: {  	_ =	task [dreg:s9], $0x5FFFF  }
0xae: {  	[dreg:$0x1] =	wrdreg $0xFFFFFFFF  }
0xaf: {  	[dreg:$0x0] =	wrdreg $0x60  }
0xb0: {  	[dreg:$0x2] =	wrdreg s24  }
0xb1: {  	[dreg:$0x3] =	wrdreg s2  }
0xb2: {  	[dreg:$0x4] =	wrdreg s18  }
0xb3: {  	[dreg:$0x5] =	wrdreg s4  }
0xb4: {  	[dreg:$0x6] =	wrdreg $0x9  }
0xb5: {  	_ =	task.clear_ibuf [dreg:s9], $0x7FFFF;
	_ =	strace $0x90000046  }
0xb6: {  	s29 =	simm.s32 $0x9;
	_ =	strace $0x80000048  }
0xb7: {  	_ =	swait.ge [sflag:s29], $0x1  }
0xb8: {  	[sflag:s29] =	ssyncadd.s32 $0xFFFFFFFF  }
0xb9: {  	_ =	strace $0x90000048  }
0xba: {  	_ =	sfence  }
0xbb: {  	s30 =	sld [smem:$0x0];
	_ =	sdelay $0x2  }
0xbc: {  	s31 =	sshll.u32 s1, $0xD;
	s1 =	sshrl.u32 s1, $0x2  }
0xbd: {  	s3 =	sand.u32 $0x4000, s31;
	s1 =	sadd.s32 s1, s30  }
0xbe: {  	s0 =	sor.u32 s3, s0;
	s1 =	sshll.u32 s1, $0x11  }
0xbf: {  	s0 =	sor.u32 s1, s0  }
0xc0: {  	s0 =	sadd.s32 $0x8F2B, s0  }
0xc1: {  	[sflag:s0] =	ssyncadd.remote.s32 $0x1  }
0xc2: {  	_ =	sfence.sel $0xFFFF  }
0xc3: {  	[dreg:$0x0] =	wrdreg $0xFFFFFFFF;
	(pc) =	sbr.abs _section_cstart, $3  }
0xc4: {  	[dreg:$0x1] =	wrdreg $0xFFFFFFFF  }
0xc5: {  	_ =	task.clear_ibuf [dreg:s9], $0x2FFFF;
	_ =	strace $0x9FFFFFFF  }
0xc6: {  	(tm) =	ssettm $0x7FFFFFFF  }
0xc7: {  	_ =	shalt  }
tec
execute0_lowered:
.L_overlay_start_1:
0x0: {  	(tag) =	ssettag $0x1  }
0x1: {  	s0 =	srdreg.scid  }
0x2: {  	s2 =	stileid.u32;
	s7 =	sand.u32 $0x1, s0  }
0x3: {  	s8 =	sor.u32 s2, s7  }
0x4: {  	s6 =	rddreg [dreg:$0x0];
	p0 =	sne.s32 s8, $0x0  }
.Ltmp0:
0x5: {  	s1 =	rddreg [dreg:$0x1];
	(pc) =	sbr.rel @p0 .LBB2_3-.Ltmp0, $4  }
0x6: {  	s3 =	rddreg [dreg:$0x2]  }
0x7: {  	s4 =	rddreg [dreg:$0x3];
	s5 =	simm.s32 $0x0  }
0x8: {  	[smem:$0x7FF] =	sst s5  }
0x9: {  	s0 =	rddreg [dreg:$0x4];
	_ =	strace $0x80000047  }
0xa: {  	s7 =	ssub.s32 $0x2, s7  }
0xb: {  	s6 =	sadd.s32 $0x400, s6;
	s9 =	simm.s32 $0x400;
	s10 =	simm.s32 $0x1  }
0xc: {  	s11 =	simm.s32 $0x4E80;
	s12 =	simm.s32 $0x2;
	s8 =	sshrl.u32 s7, $0x1  }
0xd: {  	s13 =	simm.s32 $0x4F80;
	s7 =	ssub.s32 s7, s8;
	s8 =	simm.s32 $0x80  }
.LBB2_2:
0xe: {  	[tilespmem:s5], [sflag:$0x1] =	stream.strided.gather [hbm4b:s6+s8], $0x4E80, s9, s8, $0x38;
	[tilespmem:$0x5080] =	vst v63  }
0xf: {  	_ =	swait.ge [sflag:s10], $0x4E80  }
0x10: {  	[sflag:s10] =	ssyncset.done $0x0  }
0x11: {  	[sflag:s10] =	ssyncadd.s32 $0xFFFFB180  }
0x12: {  	[tilespmem:s11], [sflag:$0x2] =	stream.linear.gather [hbm4b:s1+s5], $0x100, $0x38;
	[tilespmem:$0x5080] =	vst v63  }
0x13: {  	_ =	swait.ge [sflag:s12], $0x100  }
0x14: {  	[sflag:s12] =	ssyncset.done $0x0  }
0x15: {  	[sflag:s12] =	ssyncadd.s32 $0xFFFFFF00  }
0x16: {  	[tilespmem:s13], [sflag:$0x2] =	stream.linear.gather [hbm4b:s3+s5], $0x100, $0x38;
	[tilespmem:$0x5080] =	vst v63  }
0x17: {  	_ =	swait.ge [sflag:s12], $0x100  }
0x18: {  	[sflag:s12] =	ssyncset.done $0x0  }
0x19: {  	[sflag:s12] =	ssyncadd.s32 $0xFFFFFF00  }
0x1a: {  	v0 =	vld [tilespmem:$0x4E80];
	_ =	sdelay $0x2  }
0x1b: {  	v1 =	vld [tilespmem:$0x4F80];
	_ =	sdelay $0x4  }
0x1c: {  	[tilespmem:v0+s5+$0x0] =	vst.idx.msk $0xffff, v1  }
0x1d: {  	v0 =	vld [tilespmem:$0x4E90];
	_ =	sdelay $0x2  }
0x1e: {  	v1 =	vld [tilespmem:$0x4F90];
	_ =	sdelay $0x4  }
0x1f: {  	[tilespmem:v0+s5+$0x0] =	vst.idx.msk $0xffff, v1  }
0x20: {  	v0 =	vld [tilespmem:$0x4EA0];
	_ =	sdelay $0x2  }
0x21: {  	v1 =	vld [tilespmem:$0x4FA0];
	_ =	sdelay $0x4  }
0x22: {  	[tilespmem:v0+s5+$0x0] =	vst.idx.msk $0xffff, v1  }
0x23: {  	v0 =	vld [tilespmem:$0x4EB0];
	_ =	sdelay $0x2  }
0x24: {  	v1 =	vld [tilespmem:$0x4FB0];
	_ =	sdelay $0x4  }
0x25: {  	[tilespmem:v0+s5+$0x0] =	vst.idx.msk $0xffff, v1  }
0x26: {  	v0 =	vld [tilespmem:$0x4EC0];
	_ =	sdelay $0x2  }
0x27: {  	v1 =	vld [tilespmem:$0x4FC0];
	_ =	sdelay $0x4  }
0x28: {  	[tilespmem:v0+s5+$0x0] =	vst.idx.msk $0xffff, v1  }
0x29: {  	v0 =	vld [tilespmem:$0x4ED0];
	_ =	sdelay $0x2  }
0x2a: {  	v1 =	vld [tilespmem:$0x4FD0];
	_ =	sdelay $0x4  }
0x2b: {  	[tilespmem:v0+s5+$0x0] =	vst.idx.msk $0xffff, v1  }
0x2c: {  	v0 =	vld [tilespmem:$0x4EE0];
	_ =	sdelay $0x2  }
0x2d: {  	v1 =	vld [tilespmem:$0x4FE0];
	_ =	sdelay $0x4  }
0x2e: {  	[tilespmem:v0+s5+$0x0] =	vst.idx.msk $0xffff, v1  }
0x2f: {  	v0 =	vld [tilespmem:$0x4EF0];
	_ =	sdelay $0x2  }
0x30: {  	v1 =	vld [tilespmem:$0x4FF0];
	_ =	sdelay $0x4  }
0x31: {  	[tilespmem:v0+s5+$0x0] =	vst.idx.msk $0xffff, v1  }
0x32: {  	v0 =	vld [tilespmem:$0x4F00];
	_ =	sdelay $0x2  }
0x33: {  	v1 =	vld [tilespmem:$0x5000];
	_ =	sdelay $0x4  }
0x34: {  	[tilespmem:v0+s5+$0x0] =	vst.idx.msk $0xffff, v1  }
0x35: {  	v0 =	vld [tilespmem:$0x4F10];
	_ =	sdelay $0x2  }
0x36: {  	v1 =	vld [tilespmem:$0x5010];
	_ =	sdelay $0x4  }
0x37: {  	[tilespmem:v0+s5+$0x0] =	vst.idx.msk $0xffff, v1  }
0x38: {  	v0 =	vld [tilespmem:$0x4F20];
	_ =	sdelay $0x2  }
0x39: {  	v1 =	vld [tilespmem:$0x5020];
	_ =	sdelay $0x4  }
0x3a: {  	[tilespmem:v0+s5+$0x0] =	vst.idx.msk $0xffff, v1  }
0x3b: {  	v0 =	vld [tilespmem:$0x4F30];
	_ =	sdelay $0x2  }
0x3c: {  	v1 =	vld [tilespmem:$0x5030];
	_ =	sdelay $0x4  }
0x3d: {  	[tilespmem:v0+s5+$0x0] =	vst.idx.msk $0xffff, v1  }
0x3e: {  	v0 =	vld [tilespmem:$0x4F40];
	_ =	sdelay $0x2  }
0x3f: {  	v1 =	vld [tilespmem:$0x5040];
	_ =	sdelay $0x4  }
0x40: {  	[tilespmem:v0+s5+$0x0] =	vst.idx.msk $0xffff, v1  }
0x41: {  	v0 =	vld [tilespmem:$0x4F50];
	_ =	sdelay $0x2  }
0x42: {  	v1 =	vld [tilespmem:$0x5050];
	_ =	sdelay $0x4  }
0x43: {  	[tilespmem:v0+s5+$0x0] =	vst.idx.msk $0xffff, v1  }
0x44: {  	v0 =	vld [tilespmem:$0x4F60];
	_ =	sdelay $0x2  }
0x45: {  	v1 =	vld [tilespmem:$0x5060];
	_ =	sdelay $0x4  }
0x46: {  	[tilespmem:v0+s5+$0x0] =	vst.idx.msk $0xffff, v1  }
0x47: {  	v0 =	vld [tilespmem:$0x4F70];
	_ =	sdelay $0x2  }
0x48: {  	v1 =	vld [tilespmem:$0x5070];
	_ =	sdelay $0x3  }
0x49: {  	p0 =	sne.s32 s7, $0x1  }
.Ltmp1:
0x4a: {  	[tilespmem:v0+s5+$0x0] =	vst.idx.msk $0xffff, v1;
	(pc) =	sbr.rel @p0 .LBB2_2-.Ltmp1, $4  }
0x4b: {  	[hbm4b:s4+s5] =	stream.linear.scatter [tilespmem:s5], [sflag:$0x2], $0x4E80, $0x38;
	[tilespmem:$0x5080] =	vst v63  }
0x4c: {  	_ =	swait.ge [sflag:s12], $0x4E80  }
0x4d: {  	[sflag:s12] =	ssyncset.done $0x0  }
0x4e: {  	s7 =	sadd.s32 $0xFFFFFFFF, s7;
	[sflag:s12] =	ssyncadd.s32 $0xFFFFB180  }
.LBB2_3:
0x4f: {  	_ =	sfence.sel $0x180000  }
0x50: {  	[bflag:$0x0] =	sbarrier.arrive $0xFFFF  }
0x51: {  	p0 =	sne.s32 s2, $0x0;
	_ =	strace $0x90000047  }
0x52: {  	s0 =	sadd.s32 @!p0 $0x100000, s0;
	[bflag:$0x2] =	sbarrier.arrive $0xFFFF  }
0x53: {  	[sflag:s0] =	ssyncadd.tile.s32 @!p0 $0x1;
	_ =	shalt  }
.Lfunc_end2:
_tile_overlayer_lowered:
.L_overlay_start_2:
0x54: {  	(tag) =	ssettag $0x2  }
0x55: {  	s0 =	rddreg [dreg:$0x0];
	s2 =	stileid.u32  }
0x56: {  	s1 =	rddreg [dreg:$0x1];
	p0 =	sne.s32 s2, $0x0  }
0x57: {  	s3 =	rddreg [dreg:$0x2];
	[bflag:$0x3] =	sbarrier.arrive $0xFFFF;
	s2 =	simm.s32 @!p0 $0x1C02  }
0x58: {  	[timem:s3], [sflag:s2] =	dma.local @!p0 [hbm:s0], s1  }
0x59: {  	s0 =	simm.s32 @!p0 $0x2  }
0x5a: {  	_ =	swait.ge @!p0 [sflag:s0], s1  }
0x5b: {  	s1 =	ssub.s32 @!p0 $0x0, s1;
	[sflag:s0] =	ssyncset.done @!p0 $0x0  }
0x5c: {  	[sflag:s0] =	ssyncadd.s32 @!p0 s1  }
0x5d: {  	[bflag:$0x3] =	sbarrier.arrive $0xFFFF  }
0x5e: {  	_ =	shalt  }

</sc_bundles>
